<compile_context>
chip_gen: v7x
topology: tpu7x:2x2x1
jax: 0.10.2.dev20260603
libtpu: 0.0.44.dev20260713+nightly
codegen_flags: <defaults>
</compile_context>

<pallas_src>
import functools

import jax
import jax.numpy as jnp
from jax import lax
from jax.experimental import pallas as pl
from jax.experimental.pallas import tpu as pltpu
from jax.experimental.pallas import tpu_sc as plsc

N_NODES = 10000
N_EDGES = 160000
D_FEAT = 256
HIDDEN = 16

NUM_WORKERS = 32
EDGES_PER_WORKER = N_EDGES // NUM_WORKERS
FULL_ITERS = EDGES_PER_WORKER // 16
TAIL_OFF = EDGES_PER_WORKER - 16
T_PAD = 10240
LANES = 16
ROWS_PER_BLOCK = 1024


def _node_mlp_body(x_ref, wl_ref, bl_ref, wc_ref, o_ref):
    h = jnp.dot(x_ref[...], wl_ref[...], preferred_element_type=jnp.float32)
    g = jnp.maximum(h + bl_ref[...], 0.0) * wc_ref[...]
    o_ref[...] = jnp.sum(g, axis=1)


def _node_mlp(x, w_low, b_low, w_cls):
    return pl.pallas_call(
        _node_mlp_body,
        grid=(T_PAD // ROWS_PER_BLOCK,),
        in_specs=[
            pl.BlockSpec((ROWS_PER_BLOCK, D_FEAT), lambda i: (i, 0)),
            pl.BlockSpec((D_FEAT, HIDDEN), lambda i: (0, 0)),
            pl.BlockSpec((1, HIDDEN), lambda i: (0, 0)),
            pl.BlockSpec((1, HIDDEN), lambda i: (0, 0)),
        ],
        out_specs=pl.BlockSpec((ROWS_PER_BLOCK,), lambda i: (i,)),
        out_shape=jax.ShapeDtypeStruct((T_PAD,), jnp.float32),
    )(x, w_low, b_low.reshape(1, HIDDEN), w_cls.reshape(1, HIDDEN))


_SC_MESH = plsc.VectorSubcoreMesh(core_axis_name="c", subcore_axis_name="s")


@functools.partial(
    pl.kernel,
    out_type=jax.ShapeDtypeStruct((NUM_WORKERS, T_PAD), jnp.float32),
    mesh=_SC_MESH,
    compiler_params=pltpu.CompilerParams(needs_layout_passes=False),
    scratch_types=[
        pltpu.VMEM((T_PAD,), jnp.float32),
        pltpu.VMEM((EDGES_PER_WORKER,), jnp.int32),
        pltpu.VMEM((EDGES_PER_WORKER,), jnp.int32),
        pltpu.VMEM((T_PAD,), jnp.float32),
    ],
)
def _edge_scatter(s_hbm, edges_hbm, zeros_hbm, out_hbm,
                  s_v, src_v, dst_v, t_v):
    wid = lax.axis_index("s") * 2 + lax.axis_index("c")
    base = wid * EDGES_PER_WORKER
    pltpu.sync_copy(s_hbm, s_v)
    pltpu.sync_copy(edges_hbm.at[pl.ds(base, EDGES_PER_WORKER)], src_v)
    pltpu.sync_copy(edges_hbm.at[pl.ds(N_EDGES + base, EDGES_PER_WORKER)],
                    dst_v)
    pltpu.sync_copy(zeros_hbm, t_v)

    def body(i, carry):
        si = src_v[pl.ds(i * LANES, LANES)]
        di = dst_v[pl.ds(i * LANES, LANES)]
        vals = plsc.load_gather(s_v, [si])
        plsc.addupdate_scatter(t_v, [di], vals)
        return carry

    lax.fori_loop(0, FULL_ITERS, body, 0, unroll=8)

    mask = lax.iota(jnp.int32, LANES) >= (LANES - 8)
    si = src_v[pl.ds(TAIL_OFF, LANES)]
    di = dst_v[pl.ds(TAIL_OFF, LANES)]
    vals = plsc.load_gather(s_v, [si], mask=mask)
    plsc.addupdate_scatter(t_v, [di], vals, mask=mask)

    pltpu.sync_copy(t_v, out_hbm.at[wid])


def _reduce_sigmoid_body(p_ref, bc_ref, o_ref):
    t = jnp.sum(p_ref[...], axis=0, keepdims=True) + bc_ref[...]
    o_ref[...] = jax.nn.sigmoid(t)


def _reduce_sigmoid(partials, b_cls):
    return pl.pallas_call(
        _reduce_sigmoid_body,
        out_shape=jax.ShapeDtypeStruct((1, T_PAD), jnp.float32),
    )(partials, b_cls.reshape(1, 1))


def kernel(x, edge_index, W_low, b_low, W_cls, b_cls):
    edges_flat = edge_index.astype(jnp.int32).reshape(2 * N_EDGES)
    zeros = jnp.zeros((T_PAD,), jnp.float32)

    s = _node_mlp(x, W_low, b_low, W_cls)
    partials = _edge_scatter(s, edges_flat, zeros)
    outr = _reduce_sigmoid(partials, b_cls)
    return outr[0, :N_NODES].reshape(N_NODES, 1)

# --- scband reference (transcript-rebuilt; emitter-appended) ---
"""Pipeline reference for scband-graph-emotion-net-30777735644021 (READ-ONLY COPY).

The authoritative reference and input builder live on the scoring server;
editing this copy changes nothing except your own understanding.
"""

import jax, jax.numpy as jnp
import numpy as np

N_NODES = 10000
N_EDGES = 160000
D_FEAT = 256
HIDDEN = 16


def setup_inputs(seed: int = 0) -> dict:
    key = jax.random.key(seed)
    k_x, k_ei, k_wl, k_bl, k_wc, k_bc = jax.random.split(key, 6)
    x = jax.random.normal(k_x, (N_NODES, D_FEAT), dtype=jnp.float32)
    edge_index = jax.random.randint(k_ei, (2, N_EDGES), 0, N_NODES, dtype=jnp.int64)
    # lin_low: Linear(feature_dim, 16)
    bound_l = 1.0 / np.sqrt(D_FEAT)
    W_low = jax.random.uniform(k_wl, (D_FEAT, HIDDEN), dtype=jnp.float32, minval=-bound_l, maxval=bound_l)
    b_low = jax.random.uniform(k_bl, (HIDDEN,), dtype=jnp.float32, minval=-bound_l, maxval=bound_l)
    # classifier: Linear(16, 1)
    bound_c = 1.0 / np.sqrt(HIDDEN)
    W_cls = jax.random.uniform(k_wc, (HIDDEN, 1), dtype=jnp.float32, minval=-bound_c, maxval=bound_c)
    b_cls = jax.random.uniform(k_bc, (1,), dtype=jnp.float32, minval=-bound_c, maxval=bound_c)
    return {"x": x, "edge_index": edge_index, "W_low": W_low, "b_low": b_low, "W_cls": W_cls, "b_cls": b_cls}


def reference(x, edge_index, W_low, b_low, W_cls, b_cls):
    # RoughGraphConv with aggr='add':
    # message: relu(lin_low(x_j)) where x_j = x[src]; aggregate: scatter-add at dst
    src = edge_index[0]
    dst = edge_index[1]
    x_j = jnp.take(x, src, axis=0)                      # gather [E, D_FEAT]
    msg = jax.nn.relu(x_j @ W_low + b_low)              # [E, 16]
    agg = jax.ops.segment_sum(msg, dst, num_segments=x.shape[0])  # scatter-add [N, 16]
    # classifier + sigmoid
    out = jax.nn.sigmoid(agg @ W_cls + b_cls)           # [N, 1]
    return out

if __name__ == "__main__":
    import jax
    _d = setup_inputs()
    print(jax.jit(kernel)(*tuple(_d.values())))

</pallas_src>

<mosaic_0001>
#map = affine_map<(d0, d1) -> (0)>
#map1 = affine_map<(d0, d1) -> (0, 0)>
module attributes {stable_mosaic.version = 14 : i64} {
  func.func @_edge_scatter(%arg0: i32, %arg1: i32, %arg2: memref<10240xf32, #tpu.memory_space<hbm>>, %arg3: memref<320000xi32, #tpu.memory_space<hbm>>, %arg4: memref<10240xf32, #tpu.memory_space<hbm>>, %arg5: memref<32x10240xf32, #tpu.memory_space<hbm>>, %arg6: memref<10240xf32, #tpu.memory_space<vmem>>, %arg7: memref<5000xi32, #tpu.memory_space<vmem>>, %arg8: memref<5000xi32, #tpu.memory_space<vmem>>, %arg9: memref<10240xf32, #tpu.memory_space<vmem>>) attributes {dimension_semantics = [#tpu.dimension_semantics<core_parallel>, #tpu.dimension_semantics<subcore_parallel>], iteration_bounds = array<i64: 2, 16>, scalar_prefetch = 0 : i64, scratch_operands = 4 : i64, tpu.core_type = #tpu.core_type<sc_vector_subcore>, window_params = [{transform_indices = #map}, {transform_indices = #map}, {transform_indices = #map}, {transform_indices = #map1}]} {
    %mul3A = arith.constant 2 : i32
    %mul3A_0 = arith.muli %arg1, %mul3A : i32
    %add3A = arith.addi %mul3A_0, %arg0 : i32
    %mul3A_1 = arith.constant 5000 : i32
    %mul3A_2 = arith.muli %add3A, %mul3A_1 : i32
    "tpu.region"() ({
      %run_scoped3A = tpu.sem_alloc : memref<!tpu.dma_semaphore, #tpu.memory_space<semaphore_mem>>
      tpu.enqueue_dma source(%arg2 : memref<10240xf32, #tpu.memory_space<hbm>>) target(%arg6 : memref<10240xf32, #tpu.memory_space<vmem>>) target_semaphore(%run_scoped3A : memref<!tpu.dma_semaphore, #tpu.memory_space<semaphore_mem>>)
      tpu.wait_dma2 semaphore(%run_scoped3A : memref<!tpu.dma_semaphore, #tpu.memory_space<semaphore_mem>>) src(%arg2 : memref<10240xf32, #tpu.memory_space<hbm>>) dst(%arg6 : memref<10240xf32, #tpu.memory_space<vmem>>)
      tpu.yield
    }) : () -> ()
    "tpu.region"() ({
      %run_scoped3A = tpu.sem_alloc : memref<!tpu.dma_semaphore, #tpu.memory_space<semaphore_mem>>
      %dma_start3A = tpu.memref_slice %arg3[%mul3A_2] : memref<320000xi32, #tpu.memory_space<hbm>> -> memref<5000xi32, #tpu.memory_space<hbm>>
      %dma_start3A_15 = tpu.memref_slice %arg3[%mul3A_2] : memref<320000xi32, #tpu.memory_space<hbm>> -> memref<5000xi32, #tpu.memory_space<hbm>>
      tpu.enqueue_dma source(%dma_start3A_15 : memref<5000xi32, #tpu.memory_space<hbm>>) target(%arg7 : memref<5000xi32, #tpu.memory_space<vmem>>) target_semaphore(%run_scoped3A : memref<!tpu.dma_semaphore, #tpu.memory_space<semaphore_mem>>)
      %dma_wait3A = tpu.memref_slice %arg3[%mul3A_2] : memref<320000xi32, #tpu.memory_space<hbm>> -> memref<5000xi32, #tpu.memory_space<hbm>>
      %dma_wait3A_16 = tpu.memref_slice %arg3[%mul3A_2] : memref<320000xi32, #tpu.memory_space<hbm>> -> memref<5000xi32, #tpu.memory_space<hbm>>
      tpu.wait_dma2 semaphore(%run_scoped3A : memref<!tpu.dma_semaphore, #tpu.memory_space<semaphore_mem>>) src(%dma_wait3A_16 : memref<5000xi32, #tpu.memory_space<hbm>>) dst(%arg7 : memref<5000xi32, #tpu.memory_space<vmem>>)
      tpu.yield
    }) : () -> ()
    %add3A_3 = arith.constant 160000 : i32
    %add3A_4 = arith.addi %add3A_3, %mul3A_2 : i32
    "tpu.region"() ({
      %run_scoped3A = tpu.sem_alloc : memref<!tpu.dma_semaphore, #tpu.memory_space<semaphore_mem>>
      %dma_start3A = tpu.memref_slice %arg3[%add3A_4] : memref<320000xi32, #tpu.memory_space<hbm>> -> memref<5000xi32, #tpu.memory_space<hbm>>
      %dma_start3A_15 = tpu.memref_slice %arg3[%add3A_4] : memref<320000xi32, #tpu.memory_space<hbm>> -> memref<5000xi32, #tpu.memory_space<hbm>>
      tpu.enqueue_dma source(%dma_start3A_15 : memref<5000xi32, #tpu.memory_space<hbm>>) target(%arg8 : memref<5000xi32, #tpu.memory_space<vmem>>) target_semaphore(%run_scoped3A : memref<!tpu.dma_semaphore, #tpu.memory_space<semaphore_mem>>)
      %dma_wait3A = tpu.memref_slice %arg3[%add3A_4] : memref<320000xi32, #tpu.memory_space<hbm>> -> memref<5000xi32, #tpu.memory_space<hbm>>
      %dma_wait3A_16 = tpu.memref_slice %arg3[%add3A_4] : memref<320000xi32, #tpu.memory_space<hbm>> -> memref<5000xi32, #tpu.memory_space<hbm>>
      tpu.wait_dma2 semaphore(%run_scoped3A : memref<!tpu.dma_semaphore, #tpu.memory_space<semaphore_mem>>) src(%dma_wait3A_16 : memref<5000xi32, #tpu.memory_space<hbm>>) dst(%arg8 : memref<5000xi32, #tpu.memory_space<vmem>>)
      tpu.yield
    }) : () -> ()
    "tpu.region"() ({
      %run_scoped3A = tpu.sem_alloc : memref<!tpu.dma_semaphore, #tpu.memory_space<semaphore_mem>>
      tpu.enqueue_dma source(%arg4 : memref<10240xf32, #tpu.memory_space<hbm>>) target(%arg9 : memref<10240xf32, #tpu.memory_space<vmem>>) target_semaphore(%run_scoped3A : memref<!tpu.dma_semaphore, #tpu.memory_space<semaphore_mem>>)
      tpu.wait_dma2 semaphore(%run_scoped3A : memref<!tpu.dma_semaphore, #tpu.memory_space<semaphore_mem>>) src(%arg4 : memref<10240xf32, #tpu.memory_space<hbm>>) dst(%arg9 : memref<10240xf32, #tpu.memory_space<vmem>>)
      tpu.yield
    }) : () -> ()
    %scan3A = arith.constant 0 : i32
    %scan3A_5 = arith.constant 0 : i32
    %scan3A_6 = arith.constant 312 : i32
    %scan3A_7 = arith.addi %scan3A_5, %scan3A_6 : i32
    %scan3A_8 = arith.constant 8 : i32
    scf.for %scan3A_15 = %scan3A_5 to %scan3A_7 step %scan3A_8  : i32 {
      %mul3A_16 = arith.constant 16 : i32
      %mul3A_17 = arith.muli %scan3A_15, %mul3A_16 : i32
      %get3A_18 = arith.index_cast %mul3A_17 : i32 to index
      %get3A_19 = tpu.vector_load %arg7[%get3A_18] {strides = array<i32>} : memref<5000xi32, #tpu.memory_space<vmem>>, vector<16xi32>,
      %mul3A_20 = arith.constant 16 : i32
      %mul3A_21 = arith.muli %scan3A_15, %mul3A_20 : i32
      %get3A_22 = arith.index_cast %mul3A_21 : i32 to index
      %get3A_23 = tpu.vector_load %arg8[%get3A_22] {strides = array<i32>} : memref<5000xi32, #tpu.memory_space<vmem>>, vector<16xi32>,
      %gather3A_24 = tpu.vector_load_idx %arg6[%get3A_19] : memref<10240xf32, #tpu.memory_space<vmem>>[vector<16xi32>], vector<16xf32>,
      tpu.vector_store_idx %arg9[%get3A_23], %gather3A_24 {add = true} : memref<10240xf32, #tpu.memory_space<vmem>>[vector<16xi32>], vector<16xf32>,
      %scan3A_25 = arith.constant 1 : i32
      %scan3A_26 = arith.addi %scan3A_15, %scan3A_25 : i32
      %mul3A_27 = arith.constant 16 : i32
      %mul3A_28 = arith.muli %scan3A_26, %mul3A_27 : i32
      %get3A_29 = arith.index_cast %mul3A_28 : i32 to index
      %get3A_30 = tpu.vector_load %arg7[%get3A_29] {strides = array<i32>} : memref<5000xi32, #tpu.memory_space<vmem>>, vector<16xi32>,
      %mul3A_31 = arith.constant 16 : i32
      %mul3A_32 = arith.muli %scan3A_26, %mul3A_31 : i32
      %get3A_33 = arith.index_cast %mul3A_32 : i32 to index
      %get3A_34 = tpu.vector_load %arg8[%get3A_33] {strides = array<i32>} : memref<5000xi32, #tpu.memory_space<vmem>>, vector<16xi32>,
      %gather3A_35 = tpu.vector_load_idx %arg6[%get3A_30] : memref<10240xf32, #tpu.memory_space<vmem>>[vector<16xi32>], vector<16xf32>,
      tpu.vector_store_idx %arg9[%get3A_34], %gather3A_35 {add = true} : memref<10240xf32, #tpu.memory_space<vmem>>[vector<16xi32>], vector<16xf32>,
      %scan3A_36 = arith.constant 2 : i32
      %scan3A_37 = arith.addi %scan3A_15, %scan3A_36 : i32
      %mul3A_38 = arith.constant 16 : i32
      %mul3A_39 = arith.muli %scan3A_37, %mul3A_38 : i32
      %get3A_40 = arith.index_cast %mul3A_39 : i32 to index
      %get3A_41 = tpu.vector_load %arg7[%get3A_40] {strides = array<i32>} : memref<5000xi32, #tpu.memory_space<vmem>>, vector<16xi32>,
      %mul3A_42 = arith.constant 16 : i32
      %mul3A_43 = arith.muli %scan3A_37, %mul3A_42 : i32
      %get3A_44 = arith.index_cast %mul3A_43 : i32 to index
      %get3A_45 = tpu.vector_load %arg8[%get3A_44] {strides = array<i32>} : memref<5000xi32, #tpu.memory_space<vmem>>, vector<16xi32>,
      %gather3A_46 = tpu.vector_load_idx %arg6[%get3A_41] : memref<10240xf32, #tpu.memory_space<vmem>>[vector<16xi32>], vector<16xf32>,
      tpu.vector_store_idx %arg9[%get3A_45], %gather3A_46 {add = true} : memref<10240xf32, #tpu.memory_space<vmem>>[vector<16xi32>], vector<16xf32>,
      %scan3A_47 = arith.constant 3 : i32
      %scan3A_48 = arith.addi %scan3A_15, %scan3A_47 : i32
      %mul3A_49 = arith.constant 16 : i32
      %mul3A_50 = arith.muli %scan3A_48, %mul3A_49 : i32
      %get3A_51 = arith.index_cast %mul3A_50 : i32 to index
      %get3A_52 = tpu.vector_load %arg7[%get3A_51] {strides = array<i32>} : memref<5000xi32, #tpu.memory_space<vmem>>, vector<16xi32>,
      %mul3A_53 = arith.constant 16 : i32
      %mul3A_54 = arith.muli %scan3A_48, %mul3A_53 : i32
      %get3A_55 = arith.index_cast %mul3A_54 : i32 to index
      %get3A_56 = tpu.vector_load %arg8[%get3A_55] {strides = array<i32>} : memref<5000xi32, #tpu.memory_space<vmem>>, vector<16xi32>,
      %gather3A_57 = tpu.vector_load_idx %arg6[%get3A_52] : memref<10240xf32, #tpu.memory_space<vmem>>[vector<16xi32>], vector<16xf32>,
      tpu.vector_store_idx %arg9[%get3A_56], %gather3A_57 {add = true} : memref<10240xf32, #tpu.memory_space<vmem>>[vector<16xi32>], vector<16xf32>,
      %scan3A_58 = arith.constant 4 : i32
      %scan3A_59 = arith.addi %scan3A_15, %scan3A_58 : i32
      %mul3A_60 = arith.constant 16 : i32
      %mul3A_61 = arith.muli %scan3A_59, %mul3A_60 : i32
      %get3A_62 = arith.index_cast %mul3A_61 : i32 to index
      %get3A_63 = tpu.vector_load %arg7[%get3A_62] {strides = array<i32>} : memref<5000xi32, #tpu.memory_space<vmem>>, vector<16xi32>,
      %mul3A_64 = arith.constant 16 : i32
      %mul3A_65 = arith.muli %scan3A_59, %mul3A_64 : i32
      %get3A_66 = arith.index_cast %mul3A_65 : i32 to index
      %get3A_67 = tpu.vector_load %arg8[%get3A_66] {strides = array<i32>} : memref<5000xi32, #tpu.memory_space<vmem>>, vector<16xi32>,
      %gather3A_68 = tpu.vector_load_idx %arg6[%get3A_63] : memref<10240xf32, #tpu.memory_space<vmem>>[vector<16xi32>], vector<16xf32>,
      tpu.vector_store_idx %arg9[%get3A_67], %gather3A_68 {add = true} : memref<10240xf32, #tpu.memory_space<vmem>>[vector<16xi32>], vector<16xf32>,
      %scan3A_69 = arith.constant 5 : i32
      %scan3A_70 = arith.addi %scan3A_15, %scan3A_69 : i32
      %mul3A_71 = arith.constant 16 : i32
      %mul3A_72 = arith.muli %scan3A_70, %mul3A_71 : i32
      %get3A_73 = arith.index_cast %mul3A_72 : i32 to index
      %get3A_74 = tpu.vector_load %arg7[%get3A_73] {strides = array<i32>} : memref<5000xi32, #tpu.memory_space<vmem>>, vector<16xi32>,
      %mul3A_75 = arith.constant 16 : i32
      %mul3A_76 = arith.muli %scan3A_70, %mul3A_75 : i32
      %get3A_77 = arith.index_cast %mul3A_76 : i32 to index
      %get3A_78 = tpu.vector_load %arg8[%get3A_77] {strides = array<i32>} : memref<5000xi32, #tpu.memory_space<vmem>>, vector<16xi32>,
      %gather3A_79 = tpu.vector_load_idx %arg6[%get3A_74] : memref<10240xf32, #tpu.memory_space<vmem>>[vector<16xi32>], vector<16xf32>,
      tpu.vector_store_idx %arg9[%get3A_78], %gather3A_79 {add = true} : memref<10240xf32, #tpu.memory_space<vmem>>[vector<16xi32>], vector<16xf32>,
      %scan3A_80 = arith.constant 6 : i32
      %scan3A_81 = arith.addi %scan3A_15, %scan3A_80 : i32
      %mul3A_82 = arith.constant 16 : i32
      %mul3A_83 = arith.muli %scan3A_81, %mul3A_82 : i32
      %get3A_84 = arith.index_cast %mul3A_83 : i32 to index
      %get3A_85 = tpu.vector_load %arg7[%get3A_84] {strides = array<i32>} : memref<5000xi32, #tpu.memory_space<vmem>>, vector<16xi32>,
      %mul3A_86 = arith.constant 16 : i32
      %mul3A_87 = arith.muli %scan3A_81, %mul3A_86 : i32
      %get3A_88 = arith.index_cast %mul3A_87 : i32 to index
      %get3A_89 = tpu.vector_load %arg8[%get3A_88] {strides = array<i32>} : memref<5000xi32, #tpu.memory_space<vmem>>, vector<16xi32>,
      %gather3A_90 = tpu.vector_load_idx %arg6[%get3A_85] : memref<10240xf32, #tpu.memory_space<vmem>>[vector<16xi32>], vector<16xf32>,
      tpu.vector_store_idx %arg9[%get3A_89], %gather3A_90 {add = true} : memref<10240xf32, #tpu.memory_space<vmem>>[vector<16xi32>], vector<16xf32>,
      %scan3A_91 = arith.constant 7 : i32
      %scan3A_92 = arith.addi %scan3A_15, %scan3A_91 : i32
      %mul3A_93 = arith.constant 16 : i32
      %mul3A_94 = arith.muli %scan3A_92, %mul3A_93 : i32
      %get3A_95 = arith.index_cast %mul3A_94 : i32 to index
      %get3A_96 = tpu.vector_load %arg7[%get3A_95] {strides = array<i32>} : memref<5000xi32, #tpu.memory_space<vmem>>, vector<16xi32>,
      %mul3A_97 = arith.constant 16 : i32
      %mul3A_98 = arith.muli %scan3A_92, %mul3A_97 : i32
      %get3A_99 = arith.index_cast %mul3A_98 : i32 to index
      %get3A_100 = tpu.vector_load %arg8[%get3A_99] {strides = array<i32>} : memref<5000xi32, #tpu.memory_space<vmem>>, vector<16xi32>,
      %gather3A_101 = tpu.vector_load_idx %arg6[%get3A_96] : memref<10240xf32, #tpu.memory_space<vmem>>[vector<16xi32>], vector<16xf32>,
      tpu.vector_store_idx %arg9[%get3A_100], %gather3A_101 {add = true} : memref<10240xf32, #tpu.memory_space<vmem>>[vector<16xi32>], vector<16xf32>,
    }
    %scan3A_9 = arith.constant 312 : i32
    %iota3A = tpu.iota {dimensions = array<i32: 0>} : vector<16xi32>
    %ge3A = arith.constant 8 : i32
    %ge3A_10 = vector.broadcast %ge3A : i32 to vector<16xi32>
    %ge3A_11 = arith.cmpi sge, %iota3A, %ge3A_10 : vector<16xi32>
    %get3A = arith.constant 4984 : index
    %get3A_12 = tpu.vector_load %arg7[%get3A] {strides = array<i32>} : memref<5000xi32, #tpu.memory_space<vmem>>, vector<16xi32>,
    %get3A_13 = arith.constant 4984 : index
    %get3A_14 = tpu.vector_load %arg8[%get3A_13] {strides = array<i32>} : memref<5000xi32, #tpu.memory_space<vmem>>, vector<16xi32>,
    %gather3A = tpu.vector_load_idx %arg6[%get3A_12] masked %ge3A_11 : memref<10240xf32, #tpu.memory_space<vmem>>[vector<16xi32>], vector<16xf32>, vector<16xi1>
    tpu.vector_store_idx %arg9[%get3A_14], %gather3A masked %ge3A_11 {add = true} : memref<10240xf32, #tpu.memory_space<vmem>>[vector<16xi32>], vector<16xf32>, vector<16xi1>
    "tpu.region"() ({
      %run_scoped3A = tpu.sem_alloc : memref<!tpu.dma_semaphore, #tpu.memory_space<semaphore_mem>>
      %dma_start3A = arith.constant 0 : i32
      %dma_start3A_15 = tpu.memref_slice %arg5[%add3A, %dma_start3A] : memref<32x10240xf32, #tpu.memory_space<hbm>> -> memref<1x10240xf32, #tpu.memory_space<hbm>>
      %dma_start3A_16 = tpu.memref_squeeze %dma_start3A_15 : memref<1x10240xf32, #tpu.memory_space<hbm>> -> memref<10240xf32, #tpu.memory_space<hbm>>
      %dma_start3A_17 = arith.constant 0 : i32
      %dma_start3A_18 = tpu.memref_slice %arg5[%add3A, %dma_start3A_17] : memref<32x10240xf32, #tpu.memory_space<hbm>> -> memref<1x10240xf32, #tpu.memory_space<hbm>>
      %dma_start3A_19 = tpu.memref_squeeze %dma_start3A_18 : memref<1x10240xf32, #tpu.memory_space<hbm>> -> memref<10240xf32, #tpu.memory_space<hbm>>
      tpu.enqueue_dma source(%arg9 : memref<10240xf32, #tpu.memory_space<vmem>>) target(%dma_start3A_19 : memref<10240xf32, #tpu.memory_space<hbm>>) target_semaphore(%run_scoped3A : memref<!tpu.dma_semaphore, #tpu.memory_space<semaphore_mem>>)
      %dma_wait3A = arith.constant 0 : i32
      %dma_wait3A_20 = tpu.memref_slice %arg5[%add3A, %dma_wait3A] : memref<32x10240xf32, #tpu.memory_space<hbm>> -> memref<1x10240xf32, #tpu.memory_space<hbm>>
      %dma_wait3A_21 = tpu.memref_squeeze %dma_wait3A_20 : memref<1x10240xf32, #tpu.memory_space<hbm>> -> memref<10240xf32, #tpu.memory_space<hbm>>
      %dma_wait3A_22 = arith.constant 0 : i32
      %dma_wait3A_23 = tpu.memref_slice %arg5[%add3A, %dma_wait3A_22] : memref<32x10240xf32, #tpu.memory_space<hbm>> -> memref<1x10240xf32, #tpu.memory_space<hbm>>
      %dma_wait3A_24 = tpu.memref_squeeze %dma_wait3A_23 : memref<1x10240xf32, #tpu.memory_space<hbm>> -> memref<10240xf32, #tpu.memory_space<hbm>>
      tpu.wait_dma2 semaphore(%run_scoped3A : memref<!tpu.dma_semaphore, #tpu.memory_space<semaphore_mem>>) src(%arg9 : memref<10240xf32, #tpu.memory_space<vmem>>) dst(%dma_wait3A_24 : memref<10240xf32, #tpu.memory_space<hbm>>)
      tpu.yield
    }) : () -> ()
    return
  }
}

module attributes {stable_mosaic.version = 14 : i64} {
  func.func @_node_mlp_body(%arg0: i32, %arg1: memref<1024x256xf32, #tpu.memory_space<vmem>>, %arg2: memref<256x16xf32, #tpu.memory_space<vmem>>, %arg3: memref<1x16xf32, #tpu.memory_space<vmem>>, %arg4: memref<1x16xf32, #tpu.memory_space<vmem>>, %arg5: memref<1024xf32, #tpu.memory_space<vmem>>) attributes {dimension_semantics = [#tpu.dimension_semantics<arbitrary>], iteration_bounds = array<i64: 10>, scalar_prefetch = 0 : i64, scratch_operands = 0 : i64, tpu.core_type = #tpu.core_type<tc>, window_params = [{transform_indices = @transform_0, window_bounds = array<i64: 1024, 256>}, {pipeline_mode = #tpu.pipeline_mode<synchronous>, transform_indices = @transform_1, window_bounds = array<i64: 256, 16>}, {pipeline_mode = #tpu.pipeline_mode<synchronous>, transform_indices = @transform_2, window_bounds = array<i64: 1, 16>}, {pipeline_mode = #tpu.pipeline_mode<synchronous>, transform_indices = @transform_3, window_bounds = array<i64: 1, 16>}, {transform_indices = @transform_4, window_bounds = array<i64: 1024>}]} {
    %get3A = arith.constant 0 : index
    %get3A_0 = arith.constant 0 : index
    %get3A_1 = vector.load %arg1[%get3A, %get3A_0] : memref<1024x256xf32, #tpu.memory_space<vmem>>, vector<1024x256xf32>
    %get3A_2 = arith.constant 0 : index
    %get3A_3 = arith.constant 0 : index
    %get3A_4 = vector.load %arg2[%get3A_2, %get3A_3] : memref<256x16xf32, #tpu.memory_space<vmem>>, vector<256x16xf32>
    %dot_general3A = arith.constant dense<0.000000e+00> : vector<1024x16xf32>
    %dot_general3A_5 = tpu.matmul %get3A_1, %get3A_4, %dot_general3A {dimension_numbers = #tpu.dot_dimension_numbers<[1], [0], [0], [1], [0, 0, 1, 1], [], []>, transpose_lhs_hint = false} : vector<1024x256xf32>, vector<256x16xf32>, vector<1024x16xf32> -> vector<1024x16xf32>
    %get3A_6 = arith.constant 0 : index
    %get3A_7 = arith.constant 0 : index
    %get3A_8 = vector.load %arg3[%get3A_6, %get3A_7] : memref<1x16xf32, #tpu.memory_space<vmem>>, vector<1x16xf32>
    %add3A = vector.broadcast %get3A_8 : vector<1x16xf32> to vector<1024x16xf32>
    %add3A_9 = arith.addf %dot_general3A_5, %add3A : vector<1024x16xf32>
    %max3A = arith.constant 0.000000e+00 : f32
    %max3A_10 = vector.broadcast %max3A : f32 to vector<1024x16xf32>
    %max3A_11 = arith.maximumf %add3A_9, %max3A_10 : vector<1024x16xf32>
    %get3A_12 = arith.constant 0 : index
    %get3A_13 = arith.constant 0 : index
    %get3A_14 = vector.load %arg4[%get3A_12, %get3A_13] : memref<1x16xf32, #tpu.memory_space<vmem>>, vector<1x16xf32>
    %mul3A = vector.broadcast %get3A_14 : vector<1x16xf32> to vector<1024x16xf32>
    %mul3A_15 = arith.mulf %max3A_11, %mul3A : vector<1024x16xf32>
    %reduce_sum3A = arith.constant dense<0.000000e+00> : vector<1024xf32>
    %reduce_sum3A_16 = vector.multi_reduction <add>, %mul3A_15, %reduce_sum3A [1] : vector<1024x16xf32> to vector<1024xf32>
    %swap3A = arith.constant 0 : index
    %swap3A_17 = vector.load %arg5[%swap3A] : memref<1024xf32, #tpu.memory_space<vmem>>, vector<1024xf32>
    tpu.vector_store %arg5[%swap3A], %reduce_sum3A_16 {strides = array<i32>} : memref<1024xf32, #tpu.memory_space<vmem>>, vector<1024xf32>,
    return
  }
  func.func @transform_0(%arg0: i32) -> (i32, i32) {
    %c0_i32 = arith.constant 0 : i32
    %c0_i32_0 = arith.constant 0 : i32
    return %arg0, %c0_i32 : i32, i32
  }
  func.func @transform_1(%arg0: i32) -> (i32, i32) {
    %c0_i32 = arith.constant 0 : i32
    %c0_i32_0 = arith.constant 0 : i32
    %c0_i32_1 = arith.constant 0 : i32
    return %c0_i32, %c0_i32_0 : i32, i32
  }
  func.func @transform_2(%arg0: i32) -> (i32, i32) {
    %c0_i32 = arith.constant 0 : i32
    %c0_i32_0 = arith.constant 0 : i32
    %c0_i32_1 = arith.constant 0 : i32
    return %c0_i32, %c0_i32_0 : i32, i32
  }
  func.func @transform_3(%arg0: i32) -> (i32, i32) {
    %c0_i32 = arith.constant 0 : i32
    %c0_i32_0 = arith.constant 0 : i32
    %c0_i32_1 = arith.constant 0 : i32
    return %c0_i32, %c0_i32_0 : i32, i32
  }
  func.func @transform_4(%arg0: i32) -> i32 {
    %c0_i32 = arith.constant 0 : i32
    return %arg0 : i32
  }
}

module attributes {stable_mosaic.version = 14 : i64} {
  func.func @_reduce_sigmoid_body(%arg0: memref<32x10240xf32, #tpu.memory_space<vmem>>, %arg1: memref<1x1xf32, #tpu.memory_space<vmem>>, %arg2: memref<1x10240xf32, #tpu.memory_space<vmem>>) attributes {dimension_semantics = [], scalar_prefetch = 0 : i64, scratch_operands = 0 : i64, tpu.core_type = #tpu.core_type<tc>} {
    %get3A = arith.constant 0 : index
    %get3A_0 = arith.constant 0 : index
    %get3A_1 = vector.load %arg0[%get3A, %get3A_0] : memref<32x10240xf32, #tpu.memory_space<vmem>>, vector<32x10240xf32>
    %reduce_sum3A = arith.constant dense<0.000000e+00> : vector<10240xf32>
    %reduce_sum3A_2 = vector.multi_reduction <add>, %get3A_1, %reduce_sum3A [0] : vector<32x10240xf32> to vector<10240xf32>
    %broadcast_in_dim3A = vector.shape_cast %reduce_sum3A_2 : vector<10240xf32> to vector<1x10240xf32>
    %get3A_3 = arith.constant 0 : index
    %get3A_4 = arith.constant 0 : index
    %get3A_5 = vector.load %arg1[%get3A_3, %get3A_4] : memref<1x1xf32, #tpu.memory_space<vmem>>, vector<1x1xf32>
    %add3A = vector.broadcast %get3A_5 : vector<1x1xf32> to vector<1x10240xf32>
    %add3A_6 = arith.addf %broadcast_in_dim3A, %add3A : vector<1x10240xf32>
    %logistic3A = arith.negf %add3A_6 : vector<1x10240xf32>
    %logistic3A_7 = math.exp %logistic3A : vector<1x10240xf32>
    %logistic3A_8 = arith.constant 1.000000e+00 : f32
    %logistic3A_9 = vector.broadcast %logistic3A_8 : f32 to vector<1x10240xf32>
    %logistic3A_10 = arith.addf %logistic3A_9, %logistic3A_7 : vector<1x10240xf32>
    %logistic3A_11 = arith.divf %logistic3A_9, %logistic3A_10 : vector<1x10240xf32>
    %swap3A = arith.constant 0 : index
    %swap3A_12 = arith.constant 0 : index
    %swap3A_13 = vector.load %arg2[%swap3A, %swap3A_12] : memref<1x10240xf32, #tpu.memory_space<vmem>>, vector<1x10240xf32>
    tpu.vector_store %arg2[%swap3A, %swap3A_12], %logistic3A_11 {strides = array<i32>} : memref<1x10240xf32, #tpu.memory_space<vmem>>, vector<1x10240xf32>,
    return
  }
}

</mosaic_0001>

<sc_bundles>
// kernel: kernel.5.cloned.1.call-start
scs
__scs_entry_jumppad:
0x0: {  	(pc) =	sbr.rel $0x88, $3  }
0x1: {  	(tag) =	ssettag $0x0;
	lr =	simm.s32 $0x1  }
0x2: {  	[smem:$0x3F9B] =	sst lr;
	_ =	strace $0xD0000000  }
0x3: {  	_ = 	snop  }
0x4: {  	_ = 	snop  }
0x5: {  	_ = 	snop  }
0x6: {  	_ = 	snop  }
0x7: {  	_ = 	snop  }
__scs_overlays_trampoline_lowered:
0x8: {  	[smem:$0x3FAA] =	sst s0  }
0x9: {  	[smem:$0x3FAB] =	sst s1  }
0xa: {  	[smem:$0x3FAC] =	sst s2  }
0xb: {  	[smem:$0x3FAD] =	sst s3  }
0xc: {  	[smem:$0x3FAE] =	sst s4  }
0xd: {  	[smem:$0x3FAF] =	sst s5  }
0xe: {  	[smem:$0x3FB0] =	sst s6  }
0xf: {  	[smem:$0x3FB1] =	sst s7  }
0x10: {  	[smem:$0x3FB2] =	sst s8  }
0x11: {  	[smem:$0x3FB3] =	sst s9;
	s0 =	simm.s32 @!p0 $0x0  }
0x12: {  	s1 =	sld [smem:$0x3F99];
	s0 =	simm.s32 @p0 $0x1  }
0x13: {  	[smem:$0x3FB4] =	sst s0;
	s0 =	simm.s32 @!p1 $0x0  }
0x14: {  	s2 =	sld [smem:$0x3F98];
	s0 =	simm.s32 @p1 $0x1  }
0x15: {  	[smem:$0x3FB5] =	sst s0;
	s0 =	simm.s32 @!p2 $0x0  }
0x16: {  	s3 =	sld [smem:$0x3FDB];
	s0 =	simm.s32 @p2 $0x1  }
0x17: {  	s4 =	simm.s32 $0x1BF5;
	[smem:$0x3FB7] =	sst s0  }
0x18: {  	s0 =	sld [smem:$0x3F9A];
	_ =	swait.ge [sflag:s4], $0x0  }
0x19: {  	s7 =	sld [smem:$0x3F9B]  }
0x1a: {  	s8 =	sadd.s32 $0xFFFFE003, lr  }
0x1b: {  	s9 =	sadd.s32 $0xFFFFFEF7, lr;
	s5 =	simm.s32 $0xFFFFFFFF;
	p2 =	slt.u32 s8, $0xFFFFF086  }
0x1c: {  	p1 =	slt.u32 s9, $0xF7A;
	s5 =	simm.s32 @!p2 $0x0  }
0x1d: {  	s5 =	simm.s32 @p1 $0x1;
	p0 =	seq.s32 s7, s2  }
0x1e: {  	s7 =	smul.u32 @!p0 $0xF7A, s2;
	p2 =	seq.s32 @!p0 s5, $0x0  }
0x1f: {  	s9 =	smul.u32 $0xF7A, s1;
	s8 =	simm.s32 @!p0 $0x1BF5;
	p2 =	por !p2, p0  }
0x20: {  	[sflag:s8] =	ssyncset.s32 @!p0 $0xFFFFF086;
	s6 =	sadd.s32 @!p0 s3, s7;
	s7 =	simm.s32 @!p0 $0x108  }
0x21: {  	s3 =	sadd.s32 s3, s9;
	s6 =	sadd.s32 @!p0 $0x88, s6;
	s7 =	simm.s32 @p2 $0x1082  }
0x22: {  	[simem:s7], [sflag:s8] =	dma.local @!p0 [hbm:s6], $0xF7A  }
0x23: {  	s9 =	sor.u32 $0xD0000000, s2;
	s6 =	simm.s32 $0x108;
	_ =	swait.ge @!p0 [sflag:s8], $0x0  }
0x24: {  	s3 =	sadd.s32 $0x88, s3;
	s6 =	simm.s32 @!p1 $0x1082;
	[sflag:s4] =	ssyncset.s32 $0xFFFFF086  }
0x25: {  	[simem:s6], [sflag:s4] =	dma.local [hbm:s3], $0xF7A  }
0x26: {  	[smem:$0x3F9B] =	sst s1;
	(tag) =	ssettag s2;
	_ =	strace s9  }
0x27: {  	s1 =	sld [smem:$0x3FAB]  }
0x28: {  	s2 =	sld [smem:$0x3FAC]  }
0x29: {  	s4 =	sld [smem:$0x3FAE]  }
0x2a: {  	p0 =	seq.s32 s5, $0x0;
	s5 =	sld [smem:$0x3FAF]  }
0x2b: {  	s6 =	sld [smem:$0x3FB0]  }
0x2c: {  	s7 =	sld [smem:$0x3FB1]  }
0x2d: {  	s3 =	simm.s32 $0x108;
	s8 =	sld [smem:$0x3FB2]  }
0x2e: {  	s3 =	simm.s32 @!p0 $0x1082;
	s9 =	sld [smem:$0x3FB3]  }
0x2f: {  	lr =	sadd.s32 s0, s3;
	s0 =	sld [smem:$0x3FAA]  }
0x30: {  	s3 =	sld [smem:$0x3FAD]  }
0x31: {  	[smem:$0x3FB6] =	sst s10  }
0x32: {  	s10 =	sld [smem:$0x3FB4];
	_ =	sdelay $0x3  }
0x33: {  	p0 =	seq.s32 s10, $0x1;
	s10 =	sld [smem:$0x3FB6];
	_ =	sdelay $0x3  }
0x34: {  	[smem:$0x3FB6] =	sst s10  }
0x35: {  	s10 =	sld [smem:$0x3FB5];
	_ =	sdelay $0x3  }
0x36: {  	p1 =	seq.s32 s10, $0x1;
	s10 =	sld [smem:$0x3FB6];
	_ =	sdelay $0x3  }
0x37: {  	[smem:$0x3FB6] =	sst s10  }
0x38: {  	s10 =	sld [smem:$0x3FB7]  }
0x39: {  	_ = 	snop;
	(pc) =	sbr.ind lr, $3  }
0x3a: {  	_ = 	snop  }
0x3b: {  	_ = 	snop  }
0x3c: {  	p2 =	seq.s32 s10, $0x1;
	s10 =	sld [smem:$0x3FB6]  }
0x3d: {  	_ =	shalt  }
0x3e: {  	_ =	shalt  }
0x3f: {  	_ =	shalt  }
0x40: {  	_ =	shalt  }
0x41: {  	_ =	shalt  }
0x42: {  	_ =	shalt  }
0x43: {  	_ =	shalt  }
0x44: {  	_ =	shalt  }
0x45: {  	_ =	shalt  }
0x46: {  	_ =	shalt  }
0x47: {  	_ =	shalt  }
0x48: {  	_ =	shalt  }
0x49: {  	_ =	shalt  }
0x4a: {  	_ =	shalt  }
0x4b: {  	_ =	shalt  }
0x4c: {  	_ =	shalt  }
0x4d: {  	_ =	shalt  }
0x4e: {  	_ =	shalt  }
0x4f: {  	_ =	shalt  }
0x50: {  	_ =	shalt  }
0x51: {  	_ =	shalt  }
0x52: {  	_ =	shalt  }
0x53: {  	_ =	shalt  }
0x54: {  	_ =	shalt  }
0x55: {  	_ =	shalt  }
0x56: {  	_ =	shalt  }
0x57: {  	_ =	shalt  }
0x58: {  	_ =	shalt  }
0x59: {  	_ =	shalt  }
0x5a: {  	_ =	shalt  }
0x5b: {  	_ =	shalt  }
0x5c: {  	_ =	shalt  }
0x5d: {  	_ =	shalt  }
0x5e: {  	_ =	shalt  }
0x5f: {  	_ =	shalt  }
0x60: {  	_ =	shalt  }
0x61: {  	_ =	shalt  }
0x62: {  	_ =	shalt  }
0x63: {  	_ =	shalt  }
0x64: {  	_ =	shalt  }
0x65: {  	_ =	shalt  }
0x66: {  	_ =	shalt  }
0x67: {  	_ =	shalt  }
0x68: {  	_ =	shalt  }
0x69: {  	_ =	shalt  }
0x6a: {  	_ =	shalt  }
0x6b: {  	_ =	shalt  }
0x6c: {  	_ =	shalt  }
0x6d: {  	_ =	shalt  }
0x6e: {  	_ =	shalt  }
0x6f: {  	_ =	shalt  }
0x70: {  	_ =	shalt  }
0x71: {  	_ =	shalt  }
0x72: {  	_ =	shalt  }
0x73: {  	_ =	shalt  }
0x74: {  	_ =	shalt  }
0x75: {  	_ =	shalt  }
0x76: {  	_ =	shalt  }
0x77: {  	_ =	shalt  }
0x78: {  	_ =	shalt  }
0x79: {  	_ =	shalt  }
0x7a: {  	_ =	shalt  }
0x7b: {  	_ =	shalt  }
0x7c: {  	_ =	shalt  }
0x7d: {  	_ =	shalt  }
0x7e: {  	_ =	shalt  }
0x7f: {  	_ =	shalt  }
0x80: {  	_ =	shalt  }
0x81: {  	_ =	shalt  }
0x82: {  	_ =	shalt  }
0x83: {  	_ =	shalt  }
0x84: {  	_ =	shalt  }
0x85: {  	_ =	shalt  }
0x86: {  	_ =	shalt  }
0x87: {  	_ =	shalt  }
.Lfunc_end0:
.L_simem_size_0:
called_computation_lowered:
.L_overlay_start_0:
0x88: {  	s2 =	sld [smem:$0x3FD9]  }
0x89: {  	s3 =	sld [smem:$0x3FFE];
	_ =	sdelay $0x1  }
0x8a: {  	s1 =	srdreg.scid  }
0x8b: {  	s0 =	sand.u32 $0x1, s1  }
0x8c: {  	s16 =	sshll.u32 s0, $0xA;
	s2 =	sadd.s32 s3, s2  }
0x8d: {  	s2 =	sadd.s32 s2, s16  }
0x8e: {  	[smem:$0x3FC2] =	sst s2  }
0x8f: {  	_ = 	snop  }
0x90: {  	(tm) =	ssettm $0x1  }
0x91: {  	s17 =	sld [smem:$0x3FFB];
	_ =	sdelay $0x3  }
0x92: {  	_ =	strace s17  }
0x93: {  	s2 =	sld [smem:$0x3FFC];
	_ =	sdelay $0x3  }
0x94: {  	_ =	strace s2  }
0x95: {  	s2 =	sld [smem:$0x3FFD];
	_ =	sdelay $0x3  }
0x96: {  	_ =	strace s2  }
0x97: {  	_ =	strace $0x8FFFFFFF  }
0x98: {  	s18 =	sld [smem:$0x3FDB];
	_ =	sdelay $0x1  }
0x99: {  	s19 =	simm.s32 $_scs_section_size  }
0x9a: {  	s4 =	simm.s32 $_size__tile_overlayer_lowered;
	s5 =	simm.s32 $_tile_overlayer_lowered  }
0x9b: {  	s22 =	simm.s32 $0x1BFF;
	s21 =	sshll.u32 s5, $0x1;
	s2 =	sadd.s32 s19, s18  }
0x9c: {  	s6 =	simm.s32 $0x0;
	s20 =	sshll.u32 s4, $0x1;
	s4 =	sadd.s32 s21, s2  }
0x9d: {  	[timem:s6], [sflag:s22] =	dma.local [hbm:s4], s20  }
0x9e: {  	_ =	swait.ge [sflag:s22], s20  }
0x9f: {  	s3 =	ssub.s32 $0x0, s20;
	[sflag:s22] =	ssyncset.done $0x0  }
0xa0: {  	[sflag:s22] =	ssyncadd.s32 s3;
	_ =	sdelay $0x1  }
0xa1: {  	s23 =	simm.s32 $0x1B8B  }
0xa2: {  	_ =	swait.ge [sflag:s23], $0x1  }
0xa3: {  	[sflag:s23] =	ssyncset.done $0x0  }
0xa4: {  	s25 =	simm.s32 $0x1B8E;
	s24 =	sld [smem:$0x3FFE];
	[sflag:s23] =	ssyncadd.s32 $0xFFFFFFFF  }
0xa5: {  	s26 =	simm.s32 $execute0_lowered;
	[smem:$0x3FD2] =	sst s25  }
0xa6: {  	s4 =	sshll.u32 s26, $0x1;
	_ =	strace $0x80000046;
	[dreg:$0x1] =	wrdreg $0xFFFFFFFF  }
0xa7: {  	s28 =	simm.s32 $_size_execute0_lowered;
	s2 =	sadd.s32 s2, s4;
	[dreg:$0x0] =	wrdreg $0x0  }
0xa8: {  	s4 =	sshll.u32 s28, $0x1;
	[dreg:$0x2] =	wrdreg s2  }
0xa9: {  	[dreg:$0x3] =	wrdreg s4  }
0xaa: {  	[dreg:$0x4] =	wrdreg $0xC0  }
0xab: {  	_ =	task [dreg:s6], $0x5FFFF  }
0xac: {  	[dreg:$0x1] =	wrdreg $0xFFFFFFFF  }
0xad: {  	[dreg:$0x0] =	wrdreg $0x60  }
0xae: {  	[dreg:$0x2] =	wrdreg s24  }
0xaf: {  	[dreg:$0x3] =	wrdreg $0x9  }
0xb0: {  	_ =	task.clear_ibuf [dreg:s6], $0x4FFFF;
	_ =	strace $0x90000046  }
0xb1: {  	s29 =	simm.s32 $0x9;
	_ =	strace $0x80000048  }
0xb2: {  	_ =	swait.ge [sflag:s29], $0x1  }
0xb3: {  	[sflag:s29] =	ssyncadd.s32 $0xFFFFFFFF  }
0xb4: {  	_ =	strace $0x90000048  }
0xb5: {  	_ =	sfence  }
0xb6: {  	s30 =	sld [smem:$0x0];
	_ =	sdelay $0x2  }
0xb7: {  	s31 =	sshll.u32 s1, $0xD;
	s1 =	sshrl.u32 s1, $0x2  }
0xb8: {  	s3 =	sand.u32 $0x4000, s31;
	s1 =	sadd.s32 s1, s30  }
0xb9: {  	s0 =	sor.u32 s3, s0;
	s1 =	sshll.u32 s1, $0x11  }
0xba: {  	s0 =	sor.u32 s1, s0  }
0xbb: {  	s0 =	sadd.s32 $0x8F2B, s0  }
0xbc: {  	[sflag:s0] =	ssyncadd.remote.s32 $0x1  }
0xbd: {  	_ =	sfence.sel $0xFFFF  }
0xbe: {  	[dreg:$0x0] =	wrdreg $0xFFFFFFFF;
	(pc) =	sbr.abs _section_cstart, $3  }
0xbf: {  	[dreg:$0x1] =	wrdreg $0xFFFFFFFF  }
0xc0: {  	_ =	task.clear_ibuf [dreg:s6], $0x2FFFF;
	_ =	strace $0x9FFFFFFF  }
0xc1: {  	(tm) =	ssettm $0x7FFFFFFF  }
tec
execute0_lowered:
.L_overlay_start_1:
0x0: {  	(tag) =	ssettag $0x1  }
0x1: {  	s1 =	srdreg.scid  }
0x2: {  	s0 =	stileid.u32;
	s5 =	rddreg [dreg:$0x0]  }
0x3: {  	s9 =	simm.s32 $0x1;
	s10 =	simm.s32 $0x2800;
	s11 =	simm.s32 $0x3C00  }
0x4: {  	s12 =	simm.s32 $0x5000;
	s13 =	simm.s32 $0x80;
	s14 =	simm.s32 $0x400  }
0x5: {  	s15 =	simm.s32 $0x0;
	s4 =	sand.u32 $0x1, s1;
	s2 =	sshll.u32 s0, $0x1  }
0x6: {  	s1 =	rddreg [dreg:$0x1];
	s7 =	sshrl.u32 s0, $0x2;
	s3 =	sor.u32 s4, s2  }
0x7: {  	s2 =	simm.s32 $0x0;
	s7 =	smul.u32 $0x14000, s7;
	s30 =	ssub.s32 $0x2, s4  }
0x8: {  	s4 =	sadd.s32 $0xB400, s5;
	s6 =	smul.u32 $0x1388, s3;
	s3 =	sshll.u32 s3, $0x7  }
0x9: {  	[smem:$0x7FF] =	sst s2;
	s31 =	sshrl.u32 s30, $0x1;
	s8 =	sand.u32 $0x380, s3  }
0xa: {  	_ =	strace $0x80000047;
	s3 =	sadd.s32 $0xAE00, s5;
	s7 =	sor.u32 s7, s8  }
0xb: {  	s6 =	sshrl.u32 s6, $0x3;
	s8 =	ssub.s32 s30, s31;
	s7 =	sshrl.u32 s7, $0x3  }
0xc: {  	s6 =	sadd.s32 s6, s5;
	s8 =	smax.u32 s8, $0x1;
	s7 =	sadd.s32 s7, s5  }
0xd: {  	vm0 =	vcmask $0x3F20;
	s5 =	sadd.s32 $0x1000, s6;
	s6 =	sadd.s32 $0x5E20, s6;
	s7 =	sadd.s32 $0xBA00, s7  }
.LBB2_1:
0xe: {  	[tilespmem:s2], [sflag:$0x1] =	stream.linear.gather [hbm4b:s3+s2], $0x2800, $0x38;
	[tilespmem:$0x7800] =	vst v63  }
0xf: {  	_ =	swait.ge [sflag:s9], $0x2800  }
0x10: {  	[sflag:s9] =	ssyncset.done $0x0  }
0x11: {  	[sflag:s9] =	ssyncadd.s32 $0xFFFFD800  }
0x12: {  	[tilespmem:s10], [sflag:$0x1] =	stream.linear.gather [hbm4b:s5+s2], $0x1388, $0x38;
	[tilespmem:$0x7800] =	vst v63  }
0x13: {  	_ =	swait.ge [sflag:s9], $0x1388  }
0x14: {  	[sflag:s9] =	ssyncset.done $0x0  }
0x15: {  	[sflag:s9] =	ssyncadd.s32 $0xFFFFEC78  }
0x16: {  	[tilespmem:s11], [sflag:$0x1] =	stream.linear.gather [hbm4b:s6+s2], $0x1388, $0x38;
	[tilespmem:$0x7800] =	vst v63  }
0x17: {  	_ =	swait.ge [sflag:s9], $0x1388  }
0x18: {  	[sflag:s9] =	ssyncset.done $0x0  }
0x19: {  	[sflag:s9] =	ssyncadd.s32 $0xFFFFEC78  }
0x1a: {  	[tilespmem:s12], [sflag:$0x1] =	stream.linear.gather [hbm4b:s4+s2], $0x2800, $0x38;
	[tilespmem:$0x7800] =	vst v63  }
0x1b: {  	_ =	swait.ge [sflag:s9], $0x2800  }
0x1c: {  	s16 =	simm.s32 $0xFFFFFFF8;
	[sflag:s9] =	ssyncset.done $0x0  }
0x1d: {  	s17 =	simm.s32 $0x2840;
	s18 =	simm.s32 $0x3C40;
	[sflag:s9] =	ssyncadd.s32 $0xFFFFD800  }
.LBB2_2:
0x1e: {  	v0 =	vld [tilespmem:s17+$0xFFFFFFC0];
	_ =	sdelay $0x4  }
0x1f: {  	v1 =	vld [tilespmem:s18+$0xFFFFFFC0];
	_ =	sdelay $0x2  }
0x20: {  	v0 =	vld.idx.msk [tilespmem:v0+s2+$0x0], $0xffff;
	_ =	sdelay $0x4  }
0x21: {  	[tilespmem:v1+s12+$0x0] =	vst.idx.add.f32.msk $0xffff, v0  }
0x22: {  	v0 =	vld [tilespmem:s17+$0xFFFFFFD0];
	_ =	sdelay $0x4  }
0x23: {  	v1 =	vld [tilespmem:s18+$0xFFFFFFD0];
	_ =	sdelay $0x2  }
0x24: {  	v0 =	vld.idx.msk [tilespmem:v0+s2+$0x0], $0xffff;
	_ =	sdelay $0x4  }
0x25: {  	[tilespmem:v1+s12+$0x0] =	vst.idx.add.f32.msk $0xffff, v0  }
0x26: {  	v0 =	vld [tilespmem:s17+$0xFFFFFFE0];
	_ =	sdelay $0x4  }
0x27: {  	v1 =	vld [tilespmem:s18+$0xFFFFFFE0];
	_ =	sdelay $0x2  }
0x28: {  	v0 =	vld.idx.msk [tilespmem:v0+s2+$0x0], $0xffff;
	_ =	sdelay $0x4  }
0x29: {  	[tilespmem:v1+s12+$0x0] =	vst.idx.add.f32.msk $0xffff, v0  }
0x2a: {  	v0 =	vld [tilespmem:s17+$0xFFFFFFF0];
	_ =	sdelay $0x4  }
0x2b: {  	v1 =	vld [tilespmem:s18+$0xFFFFFFF0];
	_ =	sdelay $0x2  }
0x2c: {  	v0 =	vld.idx.msk [tilespmem:v0+s2+$0x0], $0xffff;
	_ =	sdelay $0x4  }
0x2d: {  	[tilespmem:v1+s12+$0x0] =	vst.idx.add.f32.msk $0xffff, v0  }
0x2e: {  	v0 =	vld [tilespmem:s17+$0x0];
	_ =	sdelay $0x4  }
0x2f: {  	v1 =	vld [tilespmem:s18+$0x0];
	_ =	sdelay $0x2  }
0x30: {  	v0 =	vld.idx.msk [tilespmem:v0+s2+$0x0], $0xffff;
	_ =	sdelay $0x4  }
0x31: {  	[tilespmem:v1+s12+$0x0] =	vst.idx.add.f32.msk $0xffff, v0  }
0x32: {  	v0 =	vld [tilespmem:s17+$0x10];
	_ =	sdelay $0x4  }
0x33: {  	v1 =	vld [tilespmem:s18+$0x10];
	_ =	sdelay $0x2  }
0x34: {  	v0 =	vld.idx.msk [tilespmem:v0+s2+$0x0], $0xffff;
	_ =	sdelay $0x4  }
0x35: {  	[tilespmem:v1+s12+$0x0] =	vst.idx.add.f32.msk $0xffff, v0  }
0x36: {  	v0 =	vld [tilespmem:s17+$0x20];
	_ =	sdelay $0x4  }
0x37: {  	v1 =	vld [tilespmem:s18+$0x20];
	_ =	sdelay $0x2  }
0x38: {  	v0 =	vld.idx.msk [tilespmem:v0+s2+$0x0], $0xffff;
	_ =	sdelay $0x4  }
0x39: {  	[tilespmem:v1+s12+$0x0] =	vst.idx.add.f32.msk $0xffff, v0  }
0x3a: {  	v0 =	vld [tilespmem:s17+$0x30];
	_ =	sdelay $0x4  }
0x3b: {  	v1 =	vld [tilespmem:s18+$0x30];
	_ =	sdelay $0x1  }
0x3c: {  	s16 =	sadd.s32 $0x8, s16  }
0x3d: {  	p0 =	slt.u32 s16, $0x130;
	v0 =	vld.idx.msk [tilespmem:v0+s2+$0x0], $0xffff  }
.Ltmp0:
0x3e: {  	_ = 	snop;
	(pc) =	sbr.rel @p0 .LBB2_2-.Ltmp0, $2  }
0x3f: {  	_ =	sdelay $0x2  }
0x40: {  	s17 =	sadd.s32 $0x80, s17;
	s18 =	sadd.s32 $0x80, s18;
	[tilespmem:v1+s12+$0x0] =	vst.idx.add.f32.msk $0xffff, v0  }
0x41: {  	v0 =	vld [tilespmem:$0x3B78];
	_ =	sdelay $0x4  }
0x42: {  	v1 =	vld [tilespmem:$0x4F78];
	_ =	sdelay $0x2  }
0x43: {  	v0 =	vld.idx.msk [tilespmem:v0+s2+$0x0], vm0;
	_ =	sdelay $0x2  }
0x44: {  	s15 =	sadd.s32 $0x1, s15  }
0x45: {  	p0 =	sne.s32 s15, s8  }
.Ltmp1:
0x46: {  	[tilespmem:v1+s12+$0x0] =	vst.idx.add.f32.msk vm0, v0;
	(pc) =	sbr.rel @p0 .LBB2_1-.Ltmp1, $4  }
0x47: {  	[hbm4b:s7+s13] =	stream.strided.scatter [tilespmem:s12], [sflag:$0x1], $0x2800, s14, s13, $0x38;
	[tilespmem:$0x7800] =	vst v63  }
0x48: {  	_ =	swait.ge [sflag:s9], $0x2800  }
0x49: {  	[sflag:s9] =	ssyncset.done $0x0  }
0x4a: {  	[sflag:s9] =	ssyncadd.s32 $0xFFFFD800  }
0x4b: {  	_ =	sfence.sel $0x180000  }
0x4c: {  	[bflag:$0x0] =	sbarrier.arrive $0xFFFF  }
0x4d: {  	p0 =	sne.s32 s0, $0x0;
	_ =	strace $0x90000047  }
0x4e: {  	s0 =	sadd.s32 @!p0 $0x100000, s1;
	[bflag:$0x2] =	sbarrier.arrive $0xFFFF  }
0x4f: {  	[sflag:s0] =	ssyncadd.tile.s32 @!p0 $0x1;
	_ =	shalt  }
.Lfunc_end2:
_tile_overlayer_lowered:
.L_overlay_start_2:
0x50: {  	(tag) =	ssettag $0x2  }
0x51: {  	s0 =	rddreg [dreg:$0x0];
	s2 =	stileid.u32  }
0x52: {  	s1 =	rddreg [dreg:$0x1];
	p0 =	sne.s32 s2, $0x0  }
0x53: {  	s3 =	rddreg [dreg:$0x2];
	[bflag:$0x3] =	sbarrier.arrive $0xFFFF;
	s2 =	simm.s32 @!p0 $0x1C01  }
0x54: {  	[timem:s3], [sflag:s2] =	dma.local @!p0 [hbm:s0], s1  }
0x55: {  	s0 =	simm.s32 @!p0 $0x1  }
0x56: {  	_ =	swait.ge @!p0 [sflag:s0], s1  }
0x57: {  	s1 =	ssub.s32 @!p0 $0x0, s1;
	[sflag:s0] =	ssyncset.done @!p0 $0x0  }
0x58: {  	[sflag:s0] =	ssyncadd.s32 @!p0 s1  }
0x59: {  	[bflag:$0x3] =	sbarrier.arrive $0xFFFF  }
0x5a: {  	_ =	shalt  }

</sc_bundles>
